<compile_context>
chip_gen: v7x
topology: tpu7x:2x2x1
jax: 0.10.2.dev20260603
libtpu: 0.0.44.dev20260713+nightly
codegen_flags: <defaults>
</compile_context>

<pallas_src>
import functools

import jax
import jax.numpy as jnp
from jax import lax
from jax.experimental import pallas as pl
from jax.experimental.pallas import tpu as pltpu
from jax.experimental.pallas import tpu_sc as plsc

_N_CODES = 8192
_DIM = 32
_M_TILE = 256
_IDX_CHUNK = 128


def _loss_body(x_ref, w_ref, w2_ref, acc_ref):
    m = pl.program_id(0)
    x = x_ref[...]
    w = w_ref[...]
    w2 = w2_ref[...][0:1, :]
    x2 = jnp.sum(x * x, axis=1)
    mm = lax.dot_general((x * (-2.0)).astype(jnp.bfloat16),
                         w.astype(jnp.bfloat16), (((1,), (1,)), ((), ())),
                         preferred_element_type=jnp.float32)
    mn = jnp.min(mm + w2, axis=1)
    s = jnp.sum(mn + x2)
    sb = jnp.full((8, 128), s, jnp.float32)
    prev = acc_ref[...]
    acc_ref[...] = jnp.where(m == 0, sb, prev + sb)


def _tc_loss(flat, weight, w2row8):
    m_total = flat.shape[0]
    return pl.pallas_call(
        _loss_body,
        grid=(m_total // _M_TILE,),
        in_specs=[
            pl.BlockSpec((_M_TILE, _DIM), lambda m: (m, 0)),
            pl.BlockSpec((_N_CODES, _DIM), lambda m: (0, 0)),
            pl.BlockSpec((8, _N_CODES), lambda m: (0, 0)),
        ],
        out_specs=pl.BlockSpec((8, 128), lambda m: (0, 0)),
        out_shape=jax.ShapeDtypeStruct((8, 128), jnp.float32),
    )(flat, weight, w2row8)


def _sc_gather(idx_flat, weight):
    info = plsc.get_sparse_core_info()
    nc, ns = info.num_cores, info.num_subcores
    nw = nc * ns
    m_total = idx_flat.shape[0]
    bpw = m_total // nw
    nchunks = bpw // _IDX_CHUNK
    mesh = plsc.VectorSubcoreMesh(core_axis_name="c", subcore_axis_name="s")

    @functools.partial(
        pl.kernel,
        out_type=jax.ShapeDtypeStruct((m_total, _DIM), jnp.float32),
        mesh=mesh,
        compiler_params=pltpu.CompilerParams(use_tc_tiling_on_sc=False),
        scratch_types=[
            pltpu.VMEM((bpw,), jnp.int32),
            pltpu.VMEM((bpw, _DIM), jnp.float32),
            pltpu.SemaphoreType.DMA,
        ],
    )
    def gather_kernel(idx_hbm, table_hbm, out_hbm, idx_v, rows_v, sem):
        wid = lax.axis_index("s") * nc + lax.axis_index("c")
        base = wid * bpw
        pltpu.sync_copy(idx_hbm.at[pl.ds(base, bpw)], idx_v)
        copies = [
            pltpu.async_copy(
                table_hbm.at[idx_v.at[pl.ds(ci * _IDX_CHUNK, _IDX_CHUNK)]],
                rows_v.at[pl.ds(ci * _IDX_CHUNK, _IDX_CHUNK)],
                sem,
            )
            for ci in range(nchunks)
        ]
        for cp in copies:
            cp.wait()
        pltpu.sync_copy(rows_v, out_hbm.at[pl.ds(base, bpw)])

    return gather_kernel(idx_flat, weight)


def kernel(x, weight, decay, commitment_cost):
    b, c, h, w, d = x.shape
    x = x.astype(jnp.float32)
    flat = jnp.transpose(x, (0, 2, 3, 4, 1)).reshape(-1, _DIM)
    w2row8 = jnp.broadcast_to((weight ** 2).sum(axis=1)[None, :],
                              (8, weight.shape[0]))
    dist_acc = _tc_loss(flat, weight, w2row8)
    distances = (flat ** 2).sum(axis=1, keepdims=True) \
        - 2.0 * (flat @ weight.T) \
        + (weight ** 2).sum(axis=1, keepdims=True).T
    idx_flat = jnp.argmax(-distances, axis=1)
    q_flat = _sc_gather(idx_flat, weight)
    quantized = jnp.transpose(q_flat.reshape(b, h, w, d, c), (0, 4, 1, 2, 3))
    latent_loss = commitment_cost * (dist_acc[0, 0] / x.size)
    embed_idx = idx_flat.reshape(b, h, w, d)
    return quantized, latent_loss, embed_idx

# --- scband reference (transcript-rebuilt; emitter-appended) ---
"""Pipeline reference for scband-quantizer-impl-3015067042299 (READ-ONLY COPY).

The authoritative reference and input builder live on the scoring server;
editing this copy changes nothing except your own understanding.
"""

import jax, jax.numpy as jnp
import numpy as np

N_EMBED = 8192
EMBED_DIM = 32

def setup_inputs(seed: int = 0) -> dict:
    key = jax.random.key(seed)
    k1, k2 = jax.random.split(key)
    x = jax.random.normal(k1, (4, 32, 16, 16, 8), dtype=jnp.float32)
    weight = jax.random.normal(k2, (N_EMBED, EMBED_DIM), dtype=jnp.float32)
    return {"x": x, "weight": weight, "decay": 1.0, "commitment_cost": 1.0}

def reference(x, weight, decay, commitment_cost):
    b, c, h, w, d = x.shape
    x = x.astype(jnp.float32)
    # flat_inputs: permute (0,2,3,4,1) then flatten to [b*h*w*d, embed_dim]
    flat_inputs = jnp.transpose(x, (0, 2, 3, 4, 1)).reshape(-1, EMBED_DIM)
    # squared euclidean distances to every codebook entry
    distances = (flat_inputs ** 2).sum(axis=1, keepdims=True) \
        - 2.0 * (flat_inputs @ weight.T) \
        + (weight ** 2).sum(axis=1, keepdims=True).T
    # torch.max(-distances, dim=1)[1] == argmax(-distances) == nearest code
    embed_idx_flat = jnp.argmax(-distances, axis=1)
    embed_idx = embed_idx_flat.reshape(b, h, w, d)
    # embedding lookup then permute back to channels-first: [b, c, h, w, d]
    quantized = jnp.transpose(jnp.take(weight, embed_idx, axis=0), (0, 4, 1, 2, 3))
    # commitment loss (quantized detached)
    latent_loss = commitment_cost * jnp.mean((jax.lax.stop_gradient(quantized) - x) ** 2)
    # straight-through estimator
    quantized_st = jax.lax.stop_gradient(quantized - x) + x
    return (quantized_st, latent_loss, embed_idx)

if __name__ == "__main__":
    import jax
    _d = setup_inputs()
    print(jax.jit(kernel)(*tuple(_d.values())))

</pallas_src>

<mosaic_0001>
#map = affine_map<(d0, d1) -> (0)>
#map1 = affine_map<(d0, d1) -> (0, 0)>
module attributes {stable_mosaic.version = 14 : i64} {
  func.func @gather_kernel(%arg0: i32, %arg1: i32, %arg2: memref<8192xi32, #tpu.memory_space<hbm>>, %arg3: memref<8192x32xf32, #tpu.memory_space<hbm>>, %arg4: memref<8192x32xf32, #tpu.memory_space<hbm>>, %arg5: memref<256xi32, #tpu.memory_space<vmem>>, %arg6: memref<256x32xf32, #tpu.memory_space<vmem>>, %arg7: memref<!tpu.dma_semaphore, #tpu.memory_space<semaphore_mem>>) attributes {dimension_semantics = [#tpu.dimension_semantics<core_parallel>, #tpu.dimension_semantics<subcore_parallel>], iteration_bounds = array<i64: 2, 16>, scalar_prefetch = 0 : i64, scratch_operands = 3 : i64, tpu.core_type = #tpu.core_type<sc_vector_subcore>, window_params = [{transform_indices = #map}, {transform_indices = #map1}, {transform_indices = #map1}]} {
    %mul3A = arith.constant 2 : i32
    %mul3A_0 = arith.muli %arg1, %mul3A : i32
    %add3A = arith.addi %mul3A_0, %arg0 : i32
    %mul3A_1 = arith.constant 256 : i32
    %mul3A_2 = arith.muli %add3A, %mul3A_1 : i32
    "tpu.region"() ({
      %run_scoped3A = tpu.sem_alloc : memref<!tpu.dma_semaphore, #tpu.memory_space<semaphore_mem>>
      %dma_start3A_33 = tpu.memref_slice %arg2[%mul3A_2] : memref<8192xi32, #tpu.memory_space<hbm>> -> memref<256xi32, #tpu.memory_space<hbm>>
      %dma_start3A_34 = tpu.memref_slice %arg2[%mul3A_2] : memref<8192xi32, #tpu.memory_space<hbm>> -> memref<256xi32, #tpu.memory_space<hbm>>
      tpu.enqueue_dma source(%dma_start3A_34 : memref<256xi32, #tpu.memory_space<hbm>>) target(%arg5 : memref<256xi32, #tpu.memory_space<vmem>>) target_semaphore(%run_scoped3A : memref<!tpu.dma_semaphore, #tpu.memory_space<semaphore_mem>>)
      %dma_wait3A_35 = tpu.memref_slice %arg2[%mul3A_2] : memref<8192xi32, #tpu.memory_space<hbm>> -> memref<256xi32, #tpu.memory_space<hbm>>
      %dma_wait3A_36 = tpu.memref_slice %arg2[%mul3A_2] : memref<8192xi32, #tpu.memory_space<hbm>> -> memref<256xi32, #tpu.memory_space<hbm>>
      tpu.wait_dma2 semaphore(%run_scoped3A : memref<!tpu.dma_semaphore, #tpu.memory_space<semaphore_mem>>) src(%dma_wait3A_36 : memref<256xi32, #tpu.memory_space<hbm>>) dst(%arg5 : memref<256xi32, #tpu.memory_space<vmem>>)
      tpu.yield
    }) : () -> ()
    %dma_start3A = arith.constant 0 : i32
    %dma_start3A_3 = arith.constant 0 : i32
    %dma_start3A_4 = tpu.memref_slice %arg6[%dma_start3A, %dma_start3A_3] : memref<256x32xf32, #tpu.memory_space<vmem>> -> memref<128x32xf32, #tpu.memory_space<vmem>>
    %dma_start3A_5 = arith.constant 0 : i32
    %dma_start3A_6 = tpu.memref_slice %arg5[%dma_start3A_5] : memref<256xi32, #tpu.memory_space<vmem>> -> memref<128xi32, #tpu.memory_space<vmem>>
    %dma_start3A_7 = arith.constant 0 : i32
    %dma_start3A_8 = arith.constant 0 : i32
    %dma_start3A_9 = tpu.memref_slice %arg3[%dma_start3A_7, %dma_start3A_8] : memref<8192x32xf32, #tpu.memory_space<hbm>> -> memref<8192x32xf32, #tpu.memory_space<hbm>>
    tpu.enqueue_indirect_dma source(%dma_start3A_9 : memref<8192x32xf32, #tpu.memory_space<hbm>>) target(%dma_start3A_4 : memref<128x32xf32, #tpu.memory_space<vmem>>) offsets(%dma_start3A_6 : memref<128xi32, #tpu.memory_space<vmem>>) semaphore(%arg7 : memref<!tpu.dma_semaphore, #tpu.memory_space<semaphore_mem>>)
    %dma_start3A_10 = arith.constant 128 : i32
    %dma_start3A_11 = arith.constant 0 : i32
    %dma_start3A_12 = tpu.memref_slice %arg6[%dma_start3A_10, %dma_start3A_11] : memref<256x32xf32, #tpu.memory_space<vmem>> -> memref<128x32xf32, #tpu.memory_space<vmem>>
    %dma_start3A_13 = arith.constant 128 : i32
    %dma_start3A_14 = tpu.memref_slice %arg5[%dma_start3A_13] : memref<256xi32, #tpu.memory_space<vmem>> -> memref<128xi32, #tpu.memory_space<vmem>>
    %dma_start3A_15 = arith.constant 0 : i32
    %dma_start3A_16 = arith.constant 0 : i32
    %dma_start3A_17 = tpu.memref_slice %arg3[%dma_start3A_15, %dma_start3A_16] : memref<8192x32xf32, #tpu.memory_space<hbm>> -> memref<8192x32xf32, #tpu.memory_space<hbm>>
    tpu.enqueue_indirect_dma source(%dma_start3A_17 : memref<8192x32xf32, #tpu.memory_space<hbm>>) target(%dma_start3A_12 : memref<128x32xf32, #tpu.memory_space<vmem>>) offsets(%dma_start3A_14 : memref<128xi32, #tpu.memory_space<vmem>>) semaphore(%arg7 : memref<!tpu.dma_semaphore, #tpu.memory_space<semaphore_mem>>)
    %dma_wait3A = arith.constant 0 : i32
    %dma_wait3A_18 = arith.constant 0 : i32
    %dma_wait3A_19 = tpu.memref_slice %arg6[%dma_wait3A, %dma_wait3A_18] : memref<256x32xf32, #tpu.memory_space<vmem>> -> memref<128x32xf32, #tpu.memory_space<vmem>>
    %dma_wait3A_20 = arith.constant 0 : i32
    %dma_wait3A_21 = tpu.memref_slice %arg5[%dma_wait3A_20] : memref<256xi32, #tpu.memory_space<vmem>> -> memref<128xi32, #tpu.memory_space<vmem>>
    %dma_wait3A_22 = arith.constant 0 : i32
    %dma_wait3A_23 = arith.constant 0 : i32
    %dma_wait3A_24 = tpu.memref_slice %arg3[%dma_wait3A_22, %dma_wait3A_23] : memref<8192x32xf32, #tpu.memory_space<hbm>> -> memref<8192x32xf32, #tpu.memory_space<hbm>>
    tpu.wait_indirect_dma semaphore(%arg7 : memref<!tpu.dma_semaphore, #tpu.memory_space<semaphore_mem>>) src(%dma_wait3A_24 : memref<8192x32xf32, #tpu.memory_space<hbm>>) dst(%dma_wait3A_19 : memref<128x32xf32, #tpu.memory_space<vmem>>)
    %dma_wait3A_25 = arith.constant 128 : i32
    %dma_wait3A_26 = arith.constant 0 : i32
    %dma_wait3A_27 = tpu.memref_slice %arg6[%dma_wait3A_25, %dma_wait3A_26] : memref<256x32xf32, #tpu.memory_space<vmem>> -> memref<128x32xf32, #tpu.memory_space<vmem>>
    %dma_wait3A_28 = arith.constant 128 : i32
    %dma_wait3A_29 = tpu.memref_slice %arg5[%dma_wait3A_28] : memref<256xi32, #tpu.memory_space<vmem>> -> memref<128xi32, #tpu.memory_space<vmem>>
    %dma_wait3A_30 = arith.constant 0 : i32
    %dma_wait3A_31 = arith.constant 0 : i32
    %dma_wait3A_32 = tpu.memref_slice %arg3[%dma_wait3A_30, %dma_wait3A_31] : memref<8192x32xf32, #tpu.memory_space<hbm>> -> memref<8192x32xf32, #tpu.memory_space<hbm>>
    tpu.wait_indirect_dma semaphore(%arg7 : memref<!tpu.dma_semaphore, #tpu.memory_space<semaphore_mem>>) src(%dma_wait3A_32 : memref<8192x32xf32, #tpu.memory_space<hbm>>) dst(%dma_wait3A_27 : memref<128x32xf32, #tpu.memory_space<vmem>>)
    "tpu.region"() ({
      %run_scoped3A = tpu.sem_alloc : memref<!tpu.dma_semaphore, #tpu.memory_space<semaphore_mem>>
      %dma_start3A_33 = arith.constant 0 : i32
      %dma_start3A_34 = tpu.memref_slice %arg4[%mul3A_2, %dma_start3A_33] : memref<8192x32xf32, #tpu.memory_space<hbm>> -> memref<256x32xf32, #tpu.memory_space<hbm>>
      %dma_start3A_35 = arith.constant 0 : i32
      %dma_start3A_36 = tpu.memref_slice %arg4[%mul3A_2, %dma_start3A_35] : memref<8192x32xf32, #tpu.memory_space<hbm>> -> memref<256x32xf32, #tpu.memory_space<hbm>>
      tpu.enqueue_dma source(%arg6 : memref<256x32xf32, #tpu.memory_space<vmem>>) target(%dma_start3A_36 : memref<256x32xf32, #tpu.memory_space<hbm>>) target_semaphore(%run_scoped3A : memref<!tpu.dma_semaphore, #tpu.memory_space<semaphore_mem>>)
      %dma_wait3A_37 = arith.constant 0 : i32
      %dma_wait3A_38 = tpu.memref_slice %arg4[%mul3A_2, %dma_wait3A_37] : memref<8192x32xf32, #tpu.memory_space<hbm>> -> memref<256x32xf32, #tpu.memory_space<hbm>>
      %dma_wait3A_39 = arith.constant 0 : i32
      %dma_wait3A_40 = tpu.memref_slice %arg4[%mul3A_2, %dma_wait3A_39] : memref<8192x32xf32, #tpu.memory_space<hbm>> -> memref<256x32xf32, #tpu.memory_space<hbm>>
      tpu.wait_dma2 semaphore(%run_scoped3A : memref<!tpu.dma_semaphore, #tpu.memory_space<semaphore_mem>>) src(%arg6 : memref<256x32xf32, #tpu.memory_space<vmem>>) dst(%dma_wait3A_40 : memref<256x32xf32, #tpu.memory_space<hbm>>)
      tpu.yield
    }) : () -> ()
    return
  }
}

module attributes {stable_mosaic.version = 14 : i64} {
  func.func @_loss_body(%arg0: i32, %arg1: memref<256x32xf32, #tpu.memory_space<vmem>>, %arg2: memref<8192x32xf32, #tpu.memory_space<vmem>>, %arg3: memref<8x8192xf32, #tpu.memory_space<vmem>>, %arg4: memref<8x128xf32, #tpu.memory_space<vmem>>) attributes {dimension_semantics = [#tpu.dimension_semantics<arbitrary>], iteration_bounds = array<i64: 32>, scalar_prefetch = 0 : i64, scratch_operands = 0 : i64, tpu.core_type = #tpu.core_type<tc>, window_params = [{transform_indices = @transform_0, window_bounds = array<i64: 256, 32>}, {pipeline_mode = #tpu.pipeline_mode<synchronous>, transform_indices = @transform_1, window_bounds = array<i64: 8192, 32>}, {pipeline_mode = #tpu.pipeline_mode<synchronous>, transform_indices = @transform_2, window_bounds = array<i64: 8, 8192>}, {pipeline_mode = #tpu.pipeline_mode<synchronous>, transform_indices = @transform_3, window_bounds = array<i64: 8, 128>}]} {
    %get3A = arith.constant 0 : index
    %get3A_0 = arith.constant 0 : index
    %get3A_1 = vector.load %arg1[%get3A, %get3A_0] : memref<256x32xf32, #tpu.memory_space<vmem>>, vector<256x32xf32>
    %get3A_2 = arith.constant 0 : index
    %get3A_3 = arith.constant 0 : index
    %get3A_4 = vector.load %arg2[%get3A_2, %get3A_3] : memref<8192x32xf32, #tpu.memory_space<vmem>>, vector<8192x32xf32>
    %get3A_5 = arith.constant 0 : index
    %get3A_6 = arith.constant 0 : index
    %get3A_7 = vector.load %arg3[%get3A_5, %get3A_6] : memref<8x8192xf32, #tpu.memory_space<vmem>>, vector<8x8192xf32>
    %slice3A = vector.extract_strided_slice %get3A_7 {offsets = [0, 0], sizes = [1, 8192], strides = [1, 1]} : vector<8x8192xf32> to vector<1x8192xf32>
    %mul3A = arith.mulf %get3A_1, %get3A_1 : vector<256x32xf32>
    %reduce_sum3A = arith.constant dense<0.000000e+00> : vector<256xf32>
    %reduce_sum3A_8 = vector.multi_reduction <add>, %mul3A, %reduce_sum3A [1] : vector<256x32xf32> to vector<256xf32>
    %mul3A_9 = arith.constant -2.000000e+00 : f32
    %mul3A_10 = vector.broadcast %mul3A_9 : f32 to vector<256x32xf32>
    %mul3A_11 = arith.mulf %get3A_1, %mul3A_10 : vector<256x32xf32>
    %convert_element_type3A = arith.truncf %mul3A_11 : vector<256x32xf32> to vector<256x32xbf16>
    %convert_element_type3A_12 = arith.truncf %get3A_4 : vector<8192x32xf32> to vector<8192x32xbf16>
    %dot_general3A = arith.constant dense<0.000000e+00> : vector<256x8192xf32>
    %dot_general3A_13 = tpu.matmul %convert_element_type3A, %convert_element_type3A_12, %dot_general3A {dimension_numbers = #tpu.dot_dimension_numbers<[1], [1], [0], [0], [0, 0, 1, 0], [], []>, transpose_lhs_hint = false} : vector<256x32xbf16>, vector<8192x32xbf16>, vector<256x8192xf32> -> vector<256x8192xf32>
    %add3A = vector.broadcast %slice3A : vector<1x8192xf32> to vector<256x8192xf32>
    %add3A_14 = arith.addf %dot_general3A_13, %add3A : vector<256x8192xf32>
    %reduce_min3A = arith.constant dense<0x7F800000> : vector<256xf32>
    %reduce_min3A_15 = vector.multi_reduction <minimumf>, %add3A_14, %reduce_min3A [1] : vector<256x8192xf32> to vector<256xf32>
    %add3A_16 = arith.addf %reduce_min3A_15, %reduce_sum3A_8 : vector<256xf32>
    %reduce_sum3A_17 = vector.shape_cast %add3A_16 : vector<256xf32> to vector<1x256xf32>
    %reduce_sum3A_18 = arith.constant dense<0.000000e+00> : vector<1xf32>
    %reduce_sum3A_19 = vector.multi_reduction <add>, %reduce_sum3A_17, %reduce_sum3A_18 [1] : vector<1x256xf32> to vector<1xf32>
    %reduce_sum3A_20 = vector.shape_cast %reduce_sum3A_19 : vector<1xf32> to vector<1x1xf32>
    %reduce_sum3A_21 = vector.extract %reduce_sum3A_20[0, 0] : f32 from vector<1x1xf32>
    %broadcast_in_dim3A = vector.broadcast %reduce_sum3A_21 : f32 to vector<8x128xf32>
    %get3A_22 = arith.constant 0 : index
    %get3A_23 = arith.constant 0 : index
    %get3A_24 = vector.load %arg4[%get3A_22, %get3A_23] : memref<8x128xf32, #tpu.memory_space<vmem>>, vector<8x128xf32>
    %eq3A = arith.constant 0 : i32
    %eq3A_25 = arith.cmpi eq, %arg0, %eq3A : i32
    %add3A_26 = arith.addf %get3A_24, %broadcast_in_dim3A : vector<8x128xf32>
    %select_n3A = arith.select %eq3A_25, %broadcast_in_dim3A, %add3A_26 : vector<8x128xf32>
    %swap3A = arith.constant 0 : index
    %swap3A_27 = arith.constant 0 : index
    %swap3A_28 = vector.load %arg4[%swap3A, %swap3A_27] : memref<8x128xf32, #tpu.memory_space<vmem>>, vector<8x128xf32>
    tpu.vector_store %arg4[%swap3A, %swap3A_27], %select_n3A {strides = array<i32>} : memref<8x128xf32, #tpu.memory_space<vmem>>, vector<8x128xf32>,
    return
  }
  func.func @transform_0(%arg0: i32) -> (i32, i32) {
    %c0_i32 = arith.constant 0 : i32
    %c0_i32_0 = arith.constant 0 : i32
    return %arg0, %c0_i32 : i32, i32
  }
  func.func @transform_1(%arg0: i32) -> (i32, i32) {
    %c0_i32 = arith.constant 0 : i32
    %c0_i32_0 = arith.constant 0 : i32
    %c0_i32_1 = arith.constant 0 : i32
    return %c0_i32, %c0_i32_0 : i32, i32
  }
  func.func @transform_2(%arg0: i32) -> (i32, i32) {
    %c0_i32 = arith.constant 0 : i32
    %c0_i32_0 = arith.constant 0 : i32
    %c0_i32_1 = arith.constant 0 : i32
    return %c0_i32, %c0_i32_0 : i32, i32
  }
  func.func @transform_3(%arg0: i32) -> (i32, i32) {
    %c0_i32 = arith.constant 0 : i32
    %c0_i32_0 = arith.constant 0 : i32
    %c0_i32_1 = arith.constant 0 : i32
    return %c0_i32, %c0_i32_0 : i32, i32
  }
}

</mosaic_0001>

<sc_bundles>
// kernel: kernel.4.cloned.1.call-start
scs
__scs_entry_jumppad:
0x0: {  	(pc) =	sbr.rel $0x88, $3  }
0x1: {  	(tag) =	ssettag $0x0;
	lr =	simm.s32 $0x1  }
0x2: {  	[smem:$0x3F9E] =	sst lr;
	_ =	strace $0xD0000000  }
0x3: {  	_ = 	snop  }
0x4: {  	_ = 	snop  }
0x5: {  	_ = 	snop  }
0x6: {  	_ = 	snop  }
0x7: {  	_ = 	snop  }
__scs_overlays_trampoline_lowered:
0x8: {  	[smem:$0x3FAD] =	sst s0  }
0x9: {  	[smem:$0x3FAE] =	sst s1  }
0xa: {  	[smem:$0x3FAF] =	sst s2  }
0xb: {  	[smem:$0x3FB0] =	sst s3  }
0xc: {  	[smem:$0x3FB1] =	sst s4  }
0xd: {  	[smem:$0x3FB2] =	sst s5  }
0xe: {  	[smem:$0x3FB3] =	sst s6  }
0xf: {  	[smem:$0x3FB4] =	sst s7  }
0x10: {  	[smem:$0x3FB5] =	sst s8  }
0x11: {  	[smem:$0x3FB6] =	sst s9;
	s0 =	simm.s32 @!p0 $0x0  }
0x12: {  	s1 =	sld [smem:$0x3F9C];
	s0 =	simm.s32 @p0 $0x1  }
0x13: {  	[smem:$0x3FB7] =	sst s0;
	s0 =	simm.s32 @!p1 $0x0  }
0x14: {  	s2 =	sld [smem:$0x3F9B];
	s0 =	simm.s32 @p1 $0x1  }
0x15: {  	[smem:$0x3FB8] =	sst s0;
	s0 =	simm.s32 @!p2 $0x0  }
0x16: {  	s3 =	sld [smem:$0x3FDB];
	s0 =	simm.s32 @p2 $0x1  }
0x17: {  	s4 =	simm.s32 $0x1BF5;
	[smem:$0x3FBA] =	sst s0  }
0x18: {  	s0 =	sld [smem:$0x3F9D];
	_ =	swait.ge [sflag:s4], $0x0  }
0x19: {  	s7 =	sld [smem:$0x3F9E]  }
0x1a: {  	s8 =	sadd.s32 $0xFFFFE003, lr  }
0x1b: {  	s9 =	sadd.s32 $0xFFFFFEF7, lr;
	s5 =	simm.s32 $0xFFFFFFFF;
	p2 =	slt.u32 s8, $0xFFFFF086  }
0x1c: {  	p1 =	slt.u32 s9, $0xF7A;
	s5 =	simm.s32 @!p2 $0x0  }
0x1d: {  	s5 =	simm.s32 @p1 $0x1;
	p0 =	seq.s32 s7, s2  }
0x1e: {  	s7 =	smul.u32 @!p0 $0xF7A, s2;
	p2 =	seq.s32 @!p0 s5, $0x0  }
0x1f: {  	s9 =	smul.u32 $0xF7A, s1;
	s8 =	simm.s32 @!p0 $0x1BF5;
	p2 =	por !p2, p0  }
0x20: {  	[sflag:s8] =	ssyncset.s32 @!p0 $0xFFFFF086;
	s6 =	sadd.s32 @!p0 s3, s7;
	s7 =	simm.s32 @!p0 $0x108  }
0x21: {  	s3 =	sadd.s32 s3, s9;
	s6 =	sadd.s32 @!p0 $0x88, s6;
	s7 =	simm.s32 @p2 $0x1082  }
0x22: {  	[simem:s7], [sflag:s8] =	dma.local @!p0 [hbm:s6], $0xF7A  }
0x23: {  	s9 =	sor.u32 $0xD0000000, s2;
	s6 =	simm.s32 $0x108;
	_ =	swait.ge @!p0 [sflag:s8], $0x0  }
0x24: {  	s3 =	sadd.s32 $0x88, s3;
	s6 =	simm.s32 @!p1 $0x1082;
	[sflag:s4] =	ssyncset.s32 $0xFFFFF086  }
0x25: {  	[simem:s6], [sflag:s4] =	dma.local [hbm:s3], $0xF7A  }
0x26: {  	[smem:$0x3F9E] =	sst s1;
	(tag) =	ssettag s2;
	_ =	strace s9  }
0x27: {  	s1 =	sld [smem:$0x3FAE]  }
0x28: {  	s2 =	sld [smem:$0x3FAF]  }
0x29: {  	s4 =	sld [smem:$0x3FB1]  }
0x2a: {  	p0 =	seq.s32 s5, $0x0;
	s5 =	sld [smem:$0x3FB2]  }
0x2b: {  	s6 =	sld [smem:$0x3FB3]  }
0x2c: {  	s7 =	sld [smem:$0x3FB4]  }
0x2d: {  	s3 =	simm.s32 $0x108;
	s8 =	sld [smem:$0x3FB5]  }
0x2e: {  	s3 =	simm.s32 @!p0 $0x1082;
	s9 =	sld [smem:$0x3FB6]  }
0x2f: {  	lr =	sadd.s32 s0, s3;
	s0 =	sld [smem:$0x3FAD]  }
0x30: {  	s3 =	sld [smem:$0x3FB0]  }
0x31: {  	[smem:$0x3FB9] =	sst s10  }
0x32: {  	s10 =	sld [smem:$0x3FB7];
	_ =	sdelay $0x3  }
0x33: {  	p0 =	seq.s32 s10, $0x1;
	s10 =	sld [smem:$0x3FB9];
	_ =	sdelay $0x3  }
0x34: {  	[smem:$0x3FB9] =	sst s10  }
0x35: {  	s10 =	sld [smem:$0x3FB8];
	_ =	sdelay $0x3  }
0x36: {  	p1 =	seq.s32 s10, $0x1;
	s10 =	sld [smem:$0x3FB9];
	_ =	sdelay $0x3  }
0x37: {  	[smem:$0x3FB9] =	sst s10  }
0x38: {  	s10 =	sld [smem:$0x3FBA]  }
0x39: {  	_ = 	snop;
	(pc) =	sbr.ind lr, $3  }
0x3a: {  	_ = 	snop  }
0x3b: {  	_ = 	snop  }
0x3c: {  	p2 =	seq.s32 s10, $0x1;
	s10 =	sld [smem:$0x3FB9]  }
0x3d: {  	_ =	shalt  }
0x3e: {  	_ =	shalt  }
0x3f: {  	_ =	shalt  }
0x40: {  	_ =	shalt  }
0x41: {  	_ =	shalt  }
0x42: {  	_ =	shalt  }
0x43: {  	_ =	shalt  }
0x44: {  	_ =	shalt  }
0x45: {  	_ =	shalt  }
0x46: {  	_ =	shalt  }
0x47: {  	_ =	shalt  }
0x48: {  	_ =	shalt  }
0x49: {  	_ =	shalt  }
0x4a: {  	_ =	shalt  }
0x4b: {  	_ =	shalt  }
0x4c: {  	_ =	shalt  }
0x4d: {  	_ =	shalt  }
0x4e: {  	_ =	shalt  }
0x4f: {  	_ =	shalt  }
0x50: {  	_ =	shalt  }
0x51: {  	_ =	shalt  }
0x52: {  	_ =	shalt  }
0x53: {  	_ =	shalt  }
0x54: {  	_ =	shalt  }
0x55: {  	_ =	shalt  }
0x56: {  	_ =	shalt  }
0x57: {  	_ =	shalt  }
0x58: {  	_ =	shalt  }
0x59: {  	_ =	shalt  }
0x5a: {  	_ =	shalt  }
0x5b: {  	_ =	shalt  }
0x5c: {  	_ =	shalt  }
0x5d: {  	_ =	shalt  }
0x5e: {  	_ =	shalt  }
0x5f: {  	_ =	shalt  }
0x60: {  	_ =	shalt  }
0x61: {  	_ =	shalt  }
0x62: {  	_ =	shalt  }
0x63: {  	_ =	shalt  }
0x64: {  	_ =	shalt  }
0x65: {  	_ =	shalt  }
0x66: {  	_ =	shalt  }
0x67: {  	_ =	shalt  }
0x68: {  	_ =	shalt  }
0x69: {  	_ =	shalt  }
0x6a: {  	_ =	shalt  }
0x6b: {  	_ =	shalt  }
0x6c: {  	_ =	shalt  }
0x6d: {  	_ =	shalt  }
0x6e: {  	_ =	shalt  }
0x6f: {  	_ =	shalt  }
0x70: {  	_ =	shalt  }
0x71: {  	_ =	shalt  }
0x72: {  	_ =	shalt  }
0x73: {  	_ =	shalt  }
0x74: {  	_ =	shalt  }
0x75: {  	_ =	shalt  }
0x76: {  	_ =	shalt  }
0x77: {  	_ =	shalt  }
0x78: {  	_ =	shalt  }
0x79: {  	_ =	shalt  }
0x7a: {  	_ =	shalt  }
0x7b: {  	_ =	shalt  }
0x7c: {  	_ =	shalt  }
0x7d: {  	_ =	shalt  }
0x7e: {  	_ =	shalt  }
0x7f: {  	_ =	shalt  }
0x80: {  	_ =	shalt  }
0x81: {  	_ =	shalt  }
0x82: {  	_ =	shalt  }
0x83: {  	_ =	shalt  }
0x84: {  	_ =	shalt  }
0x85: {  	_ =	shalt  }
0x86: {  	_ =	shalt  }
0x87: {  	_ =	shalt  }
.Lfunc_end0:
.L_simem_size_0:
called_computation_lowered:
.L_overlay_start_0:
0x88: {  	s2 =	sld [smem:$0x3FD9]  }
0x89: {  	s3 =	sld [smem:$0x3FFE];
	_ =	sdelay $0x1  }
0x8a: {  	s1 =	srdreg.scid  }
0x8b: {  	s0 =	sand.u32 $0x1, s1  }
0x8c: {  	s16 =	sshll.u32 s0, $0xA;
	s2 =	sadd.s32 s3, s2  }
0x8d: {  	s2 =	sadd.s32 s2, s16  }
0x8e: {  	[smem:$0x3FC5] =	sst s2  }
0x8f: {  	_ = 	snop  }
0x90: {  	(tm) =	ssettm $0x1  }
0x91: {  	s17 =	sld [smem:$0x3FFB];
	_ =	sdelay $0x3  }
0x92: {  	_ =	strace s17  }
0x93: {  	s2 =	sld [smem:$0x3FFC];
	_ =	sdelay $0x3  }
0x94: {  	_ =	strace s2  }
0x95: {  	s2 =	sld [smem:$0x3FFD];
	_ =	sdelay $0x3  }
0x96: {  	_ =	strace s2  }
0x97: {  	_ =	strace $0x8FFFFFFF  }
0x98: {  	s18 =	sld [smem:$0x3FDB];
	_ =	sdelay $0x1  }
0x99: {  	s19 =	simm.s32 $_scs_section_size  }
0x9a: {  	s4 =	simm.s32 $_size__tile_overlayer_lowered;
	s5 =	simm.s32 $_tile_overlayer_lowered  }
0x9b: {  	s22 =	simm.s32 $0x1BFF;
	s21 =	sshll.u32 s5, $0x1;
	s2 =	sadd.s32 s19, s18  }
0x9c: {  	s6 =	simm.s32 $0x0;
	s20 =	sshll.u32 s4, $0x1;
	s4 =	sadd.s32 s21, s2  }
0x9d: {  	[timem:s6], [sflag:s22] =	dma.local [hbm:s4], s20  }
0x9e: {  	_ =	swait.ge [sflag:s22], s20  }
0x9f: {  	s3 =	ssub.s32 $0x0, s20;
	[sflag:s22] =	ssyncset.done $0x0  }
0xa0: {  	[sflag:s22] =	ssyncadd.s32 s3;
	_ =	sdelay $0x1  }
0xa1: {  	s23 =	simm.s32 $0x1B8B  }
0xa2: {  	_ =	swait.ge [sflag:s23], $0x1  }
0xa3: {  	[sflag:s23] =	ssyncset.done $0x0  }
0xa4: {  	s25 =	simm.s32 $0x1B8E;
	s24 =	sld [smem:$0x3FFE];
	[sflag:s23] =	ssyncadd.s32 $0xFFFFFFFF  }
0xa5: {  	s26 =	simm.s32 $execute0_lowered;
	[smem:$0x3FD2] =	sst s25  }
0xa6: {  	s4 =	sshll.u32 s26, $0x1;
	_ =	strace $0x80000046;
	[dreg:$0x1] =	wrdreg $0xFFFFFFFF  }
0xa7: {  	s28 =	simm.s32 $_size_execute0_lowered;
	s2 =	sadd.s32 s2, s4;
	[dreg:$0x0] =	wrdreg $0x0  }
0xa8: {  	s4 =	sshll.u32 s28, $0x1;
	[dreg:$0x2] =	wrdreg s2  }
0xa9: {  	[dreg:$0x3] =	wrdreg s4  }
0xaa: {  	[dreg:$0x4] =	wrdreg $0xC0  }
0xab: {  	_ =	task [dreg:s6], $0x5FFFF  }
0xac: {  	[dreg:$0x1] =	wrdreg $0xFFFFFFFF  }
0xad: {  	[dreg:$0x0] =	wrdreg $0x60  }
0xae: {  	[dreg:$0x2] =	wrdreg s24  }
0xaf: {  	[dreg:$0x3] =	wrdreg $0x9  }
0xb0: {  	_ =	task.clear_ibuf [dreg:s6], $0x4FFFF;
	_ =	strace $0x90000046  }
0xb1: {  	s29 =	simm.s32 $0x9;
	_ =	strace $0x80000048  }
0xb2: {  	_ =	swait.ge [sflag:s29], $0x1  }
0xb3: {  	[sflag:s29] =	ssyncadd.s32 $0xFFFFFFFF  }
0xb4: {  	_ =	strace $0x90000048  }
0xb5: {  	_ =	sfence  }
0xb6: {  	s30 =	sld [smem:$0x0];
	_ =	sdelay $0x2  }
0xb7: {  	s31 =	sshll.u32 s1, $0xD;
	s1 =	sshrl.u32 s1, $0x2  }
0xb8: {  	s3 =	sand.u32 $0x4000, s31;
	s1 =	sadd.s32 s1, s30  }
0xb9: {  	s0 =	sor.u32 s3, s0;
	s1 =	sshll.u32 s1, $0x11  }
0xba: {  	s0 =	sor.u32 s1, s0  }
0xbb: {  	s0 =	sadd.s32 $0x8F2B, s0  }
0xbc: {  	[sflag:s0] =	ssyncadd.remote.s32 $0x1  }
0xbd: {  	_ =	sfence.sel $0xFFFF  }
0xbe: {  	[dreg:$0x0] =	wrdreg $0xFFFFFFFF;
	(pc) =	sbr.abs _section_cstart, $3  }
0xbf: {  	[dreg:$0x1] =	wrdreg $0xFFFFFFFF  }
0xc0: {  	_ =	task.clear_ibuf [dreg:s6], $0x2FFFF;
	_ =	strace $0x9FFFFFFF  }
0xc1: {  	(tm) =	ssettm $0x7FFFFFFF  }
tec
execute0_lowered:
.L_overlay_start_1:
0x0: {  	(tag) =	ssettag $0x1  }
0x1: {  	s1 =	srdreg.scid  }
0x2: {  	s0 =	stileid.u32;
	s10 =	sand.u32 $0x1, s1  }
0x3: {  	s29 =	sshll.u32 s0, $0x9;
	s3 =	sshll.u32 s10, $0x8  }
0x4: {  	s2 =	rddreg [dreg:$0x0];
	s11 =	sor.u32 s3, s29  }
0x5: {  	s1 =	rddreg [dreg:$0x1];
	s3 =	simm.s32 $0x0;
	s4 =	sshrl.u32 s11, $0x3  }
0x6: {  	[smem:$0x7FF] =	sst s3;
	s4 =	sadd.s32 s4, s2  }
0x7: {  	_ =	strace $0x80000047;
	s5 =	sadd.s32 $0x8000, s4;
	s4 =	simm.s32 $0x2  }
0x8: {  	[tilespmem:s3], [sflag:$0x2] =	stream.linear.gather [hbm4b:s5+s3], $0x100, $0x38;
	[tilespmem:$0x2100] =	vst v63  }
0x9: {  	_ =	swait.ge [sflag:s4], $0x100  }
0xa: {  	[sflag:s4] =	ssyncset.done $0x0  }
0xb: {  	s6 =	simm.s32 $0x80;
	s7 =	simm.s32 $0x100;
	[sflag:s4] =	ssyncadd.s32 $0xFFFFFF00  }
0xc: {  	[tilespmem:s7], [sflag:$0x1] =	stream.indirect.gather [hbm4b:s2+s6], $0x20, s3, s6, $0xb8;
	[tilespmem:$0x2100] =	vst v63  }
0xd: {  	s8 =	simm.s32 $0x1100;
	s9 =	simm.s32 $0x1;
	s10 =	ssub.s32 $0x2, s10  }
0xe: {  	[tilespmem:s8], [sflag:$0x1] =	stream.indirect.gather [hbm4b:s2+s6], $0x20, s6, s6, $0xb8;
	[tilespmem:$0x2100] =	vst v63  }
0xf: {  	s12 =	sshrl.u32 s10, $0x1;
	_ =	swait.ge [sflag:s9], $0x1000  }
0x10: {  	s12 =	ssub.s32 s10, s12;
	[sflag:s9] =	ssyncset.done $0x0  }
0x11: {  	s31 =	smax.u32 s12, $0x1;
	[sflag:s9] =	ssyncadd.s32 $0xFFFFF000  }
0x12: {  	s11 =	sshll.u32 s11, $0x2;
	p0 =	sne.s32 s31, $0x1;
	_ =	swait.ge [sflag:s9], $0x1000  }
.Ltmp0:
0x13: {  	s30 =	sadd.s32 s11, s2;
	[sflag:s9] =	ssyncset.done $0x0;
	(pc) =	sbr.rel @!p0 .LBB2_2-.Ltmp0, $4  }
0x14: {  	s10 =	sadd.s32 $0x8400, s30;
	[sflag:s9] =	ssyncadd.s32 $0xFFFFF000  }
0x15: {  	[hbm4b:s10+s3] =	stream.linear.scatter [tilespmem:s7], [sflag:$0x2], $0x2000, $0x38;
	[tilespmem:$0x2100] =	vst v63  }
0x16: {  	_ =	swait.ge [sflag:s4], $0x2000  }
0x17: {  	s11 =	sadd.s32 $0xFFFFFFFF, s31;
	[sflag:s4] =	ssyncset.done $0x0  }
.LBB2_1:
0x18: {  	p0 =	sne.s32 s11, $0x1;
	s11 =	sadd.s32 $0xFFFFFFFF, s11;
	[sflag:s4] =	ssyncadd.s32 $0xFFFFE000  }
0x19: {  	[tilespmem:s3], [sflag:$0x2] =	stream.linear.gather [hbm4b:s5+s3], $0x100, $0x38;
	[tilespmem:$0x2100] =	vst v63  }
0x1a: {  	_ =	swait.ge [sflag:s4], $0x100  }
0x1b: {  	[sflag:s4] =	ssyncset.done $0x0  }
0x1c: {  	[sflag:s4] =	ssyncadd.s32 $0xFFFFFF00  }
0x1d: {  	[tilespmem:s7], [sflag:$0x1] =	stream.indirect.gather [hbm4b:s2+s6], $0x20, s3, s6, $0xb8;
	[tilespmem:$0x2100] =	vst v63  }
0x1e: {  	_ = 	snop  }
0x1f: {  	[tilespmem:s8], [sflag:$0x1] =	stream.indirect.gather [hbm4b:s2+s6], $0x20, s6, s6, $0xb8;
	[tilespmem:$0x2100] =	vst v63  }
0x20: {  	_ =	swait.ge [sflag:s9], $0x1000  }
0x21: {  	[sflag:s9] =	ssyncset.done $0x0  }
0x22: {  	[sflag:s9] =	ssyncadd.s32 $0xFFFFF000  }
0x23: {  	_ =	swait.ge [sflag:s9], $0x1000  }
.Ltmp1:
0x24: {  	[sflag:s9] =	ssyncset.done $0x0;
	(pc) =	sbr.rel @p0 .LBB2_1-.Ltmp1, $4  }
0x25: {  	[sflag:s9] =	ssyncadd.s32 $0xFFFFF000  }
0x26: {  	[hbm4b:s10+s3] =	stream.linear.scatter [tilespmem:s7], [sflag:$0x2], $0x2000, $0x38;
	[tilespmem:$0x2100] =	vst v63  }
0x27: {  	_ =	swait.ge [sflag:s4], $0x2000  }
0x28: {  	[sflag:s4] =	ssyncset.done $0x0  }
.LBB2_2:
0x29: {  	[sflag:s4] =	ssyncadd.s32 $0xFFFFE000  }
0x2a: {  	_ =	sfence.sel $0x180000  }
0x2b: {  	[bflag:$0x0] =	sbarrier.arrive $0xFFFF  }
0x2c: {  	p0 =	sne.s32 s0, $0x0;
	_ =	strace $0x90000047  }
0x2d: {  	s0 =	sadd.s32 @!p0 $0x100000, s1;
	[bflag:$0x2] =	sbarrier.arrive $0xFFFF  }
0x2e: {  	[sflag:s0] =	ssyncadd.tile.s32 @!p0 $0x1;
	_ =	shalt  }
.Lfunc_end2:
_tile_overlayer_lowered:
.L_overlay_start_2:
0x2f: {  	(tag) =	ssettag $0x2  }
0x30: {  	s0 =	rddreg [dreg:$0x0];
	s2 =	stileid.u32  }
0x31: {  	s1 =	rddreg [dreg:$0x1];
	p0 =	sne.s32 s2, $0x0  }
0x32: {  	s3 =	rddreg [dreg:$0x2];
	[bflag:$0x3] =	sbarrier.arrive $0xFFFF;
	s2 =	simm.s32 @!p0 $0x1C02  }
0x33: {  	[timem:s3], [sflag:s2] =	dma.local @!p0 [hbm:s0], s1  }
0x34: {  	s0 =	simm.s32 @!p0 $0x2  }
0x35: {  	_ =	swait.ge @!p0 [sflag:s0], s1  }
0x36: {  	s1 =	ssub.s32 @!p0 $0x0, s1;
	[sflag:s0] =	ssyncset.done @!p0 $0x0  }
0x37: {  	[sflag:s0] =	ssyncadd.s32 @!p0 s1  }
0x38: {  	[bflag:$0x3] =	sbarrier.arrive $0xFFFF  }
0x39: {  	_ =	shalt  }

</sc_bundles>
